<compile_context>
chip_gen: v7x
topology: tpu7x:2x2x1
jax: 0.10.2.dev20260603
libtpu: 0.0.44.dev20260713+nightly
codegen_flags: <defaults>
</compile_context>

<pallas_src>
import functools

import numpy as np
import jax
import jax.numpy as jnp
from jax import lax
from jax.experimental import pallas as pl
from jax.experimental.pallas import tpu as pltpu
from jax.experimental.pallas import tpu_sc as plsc

_B, _F, _L, _D, _V = 4096, 26, 4, 32, 100000
_BF = _B * _F

_NW = 32


def _sc_pool_body(nf, tbl_hbm, kidx_hbm, out_hbm, plane_v, idx_v, out_v, sem, sem2):
    d = lax.axis_index("s") * 2 + lax.axis_index("c")

    def task(f, carry):
        cp = pltpu.async_copy(tbl_hbm.at[f, d], plane_v, sem)
        ci = pltpu.async_copy(kidx_hbm.at[f], idx_v, sem2)
        cp.wait()
        ci.wait()

        def pool(vb, c2):
            s = pl.ds(vb * 16, 16)
            acc = plsc.load_gather(plane_v, [idx_v[0, s]])
            acc = acc + plsc.load_gather(plane_v, [idx_v[1, s]])
            acc = acc + plsc.load_gather(plane_v, [idx_v[2, s]])
            acc = acc + plsc.load_gather(plane_v, [idx_v[3, s]])
            out_v[s] = acc
            return c2

        lax.fori_loop(0, _B // 16, pool, 0)
        pltpu.sync_copy(out_v, out_hbm.at[f, d])
        return carry

    lax.fori_loop(0, nf, task, 0)


@functools.cache
def _sc_pool(nf):
    return pl.kernel(
        functools.partial(_sc_pool_body, nf),
        out_type=jax.ShapeDtypeStruct((nf, _D, _B), jnp.float32),
        mesh=plsc.VectorSubcoreMesh(core_axis_name="c", subcore_axis_name="s"),
        scratch_types=[
            pltpu.VMEM((_V,), jnp.float32),
            pltpu.VMEM((_L, _B), jnp.int32),
            pltpu.VMEM((_B,), jnp.float32),
            pltpu.SemaphoreType.DMA,
            pltpu.SemaphoreType.DMA,
        ],
        compiler_params=pltpu.CompilerParams(
            use_tc_tiling_on_sc=False, needs_layout_passes=False
        ),
    )


_BB = 256
_NBLK = _B // _BB
_NF = _F + 1
_NPAIR = _NF * _NF
_IU0, _IU1 = np.triu_indices(_NF, k=1)
_PAIR_POS = (_IU0 * _NF + _IU1).astype(np.int32)


def _tc_body(dx, sp, bw0, bb0, bw1, bb1, bw2, bb2,
             tw0h, tw0f, tb0, tw1, tb1, tw2, tb2, tw3, tb3, tw4, tb4, out):
    f32 = jnp.float32
    x = dx[...]
    h = jnp.maximum(jnp.dot(x, bw0[...], preferred_element_type=f32) + bb0[...], 0.0)
    h = jnp.maximum(jnp.dot(h, bw1[...], preferred_element_type=f32) + bb1[...], 0.0)
    h = jnp.dot(h, bw2[...], preferred_element_type=f32) + bb2[...]

    comb = jnp.concatenate([sp[...], h], axis=1)
    c3 = comb.reshape(_BB, _NF, _D)
    inter = lax.dot_general(
        c3, c3, (((2,), (2,)), ((0,), (0,))), preferred_element_type=f32
    )
    f729 = inter.reshape(_BB, _NPAIR)

    t = jnp.dot(h, tw0h[...], preferred_element_type=f32)
    t = t + jnp.dot(f729, tw0f[...], preferred_element_type=f32)
    t = jnp.maximum(t + tb0[...], 0.0)
    t = jnp.maximum(jnp.dot(t, tw1[...], preferred_element_type=f32) + tb1[...], 0.0)
    t = jnp.maximum(jnp.dot(t, tw2[...], preferred_element_type=f32) + tb2[...], 0.0)
    t = jnp.maximum(jnp.dot(t, tw3[...], preferred_element_type=f32) + tb3[...], 0.0)
    out[...] = jnp.dot(t, tw4[...], preferred_element_type=f32) + tb4[...]


def _full(shape):
    return pl.BlockSpec(shape, lambda i: (0, 0))


def _tc_call(dense_x, sp, bw0, bb0, bw1, bb1, bw2, bb2,
             tw0h, tw0f, tb0, tw1, tb1, tw2, tb2, tw3, tb3, tw4, tb4):
    weights = (bw0, bb0, bw1, bb1, bw2, bb2,
               tw0h, tw0f, tb0, tw1, tb1, tw2, tb2, tw3, tb3, tw4, tb4)
    in_specs = [
        pl.BlockSpec((_BB, 13), lambda i: (i, 0)),
        pl.BlockSpec((_BB, _F * _D), lambda i: (i, 0)),
    ] + [_full(w.shape) for w in weights]
    return pl.pallas_call(
        _tc_body,
        grid=(_NBLK,),
        in_specs=in_specs,
        out_specs=pl.BlockSpec((_BB, 1), lambda i: (i, 0)),
        out_shape=jax.ShapeDtypeStruct((_B, 1), jnp.float32),
    )(dense_x, sp, *weights)


def kernel(dense_x, kjt, tables, bw0, bb0, bw1, bb1, bw2, bb2,
           tw0, tb0, tw1, tb1, tw2, tb2, tw3, tb3, tw4, tb4):
    tbl_t = jnp.transpose(tables, (0, 2, 1))
    kidx = jnp.transpose(kjt, (1, 2, 0))
    bounds = (0, _F)
    parts = [
        _sc_pool(f1 - f0)(tbl_t[f0:f1], kidx[f0:f1])
        for f0, f1 in zip(bounds[:-1], bounds[1:])
    ]
    pooled = jnp.concatenate(parts, axis=0)
    sp = jnp.transpose(pooled, (2, 0, 1)).reshape(_B, _F * _D)

    tw0h = tw0[:_D]
    tw0f = jnp.zeros((_NPAIR, tw0.shape[1]), tw0.dtype).at[_PAIR_POS].set(tw0[_D:])
    b2 = lambda b: b.reshape(1, -1)
    return _tc_call(dense_x, sp, bw0, b2(bb0), bw1, b2(bb1), bw2, b2(bb2),
                    tw0h, tw0f, b2(tb0), tw1, b2(tb1), tw2, b2(tb2),
                    tw3, b2(tb3), tw4, b2(tb4))

# --- scband reference (transcript-rebuilt; emitter-appended) ---
"""Pipeline reference for scband-dlrmdist-10342281249360 (READ-ONLY COPY).

The authoritative reference and input builder live on the scoring server;
editing this copy changes nothing except your own understanding.
"""

import jax, jax.numpy as jnp
import numpy as np

B, F, L, D, V = 4096, 26, 4, 32, 100000
DENSE_DIM = 13
BOT_DIMS = [(13, 512), (512, 256), (256, 32)]
TOP_DIMS = [(32 + 27 * 26 // 2, 1024), (1024, 1024), (1024, 512), (512, 256), (256, 1)]


def setup_inputs(seed: int = 0) -> dict:
    key = jax.random.key(seed)
    ks = list(jax.random.split(key, 32))
    ki = iter(ks)
    inp = {}
    inp['dense_x'] = jax.random.normal(next(ki), (B, DENSE_DIM), dtype=jnp.float32)
    inp['kjt'] = jax.random.randint(next(ki), (B, F, L), 0, V, dtype=jnp.int32)
    inp['tables'] = jax.random.normal(next(ki), (F, V, D), dtype=jnp.float32) * 0.01
    for i, (din, dout) in enumerate(BOT_DIMS):
        inp[f'bw{i}'] = jax.random.normal(next(ki), (din, dout), dtype=jnp.float32) * (1.0 / np.sqrt(din))
        inp[f'bb{i}'] = jnp.zeros((dout,), dtype=jnp.float32)
    for i, (din, dout) in enumerate(TOP_DIMS):
        inp[f'tw{i}'] = jax.random.normal(next(ki), (din, dout), dtype=jnp.float32) * (1.0 / np.sqrt(din))
        inp[f'tb{i}'] = jnp.zeros((dout,), dtype=jnp.float32)
    return inp


def _mlp(x, Ws, bs):
    n = len(Ws)
    for i in range(n):
        x = x @ Ws[i] + bs[i]
        if i < n - 1:
            x = jax.nn.relu(x)
    return x


def reference(dense_x, kjt, tables, bw0, bb0, bw1, bb1, bw2, bb2,
              tw0, tb0, tw1, tb1, tw2, tb2, tw3, tb3, tw4, tb4):
    # Sparse: per-feature embedding lookup with SUM pooling over hotness L -> [B, F, D]
    f_idx = jnp.arange(F).reshape(1, F, 1)
    emb = tables[f_idx, kjt]  # gather -> [B, F, L, D]
    sparse_x = jnp.sum(emb, axis=2)  # [B, F, D]
    # Bottom MLP on dense features -> [B, D]
    h = _mlp(dense_x, [bw0, bw1, bw2], [bb0, bb1, bb2])
    # Dot interaction: concat dense as an extra 'feature' row
    combined = jnp.concatenate([sparse_x, h[:, None, :]], axis=1)  # [B, F+1, D]
    interact = jnp.einsum('bfd,bgd->bfg', combined, combined)  # [B, F+1, F+1]
    iu0, iu1 = jnp.triu_indices(F + 1, k=1)
    flat = interact[:, iu0, iu1]  # [B, (F+1)F/2]
    # Top MLP
    top_in = jnp.concatenate([h, flat], axis=1)
    out = _mlp(top_in, [tw0, tw1, tw2, tw3, tw4], [tb0, tb1, tb2, tb3, tb4])
    return out

if __name__ == "__main__":
    import jax
    _d = setup_inputs()
    print(jax.jit(kernel)(*tuple(_d.values())))

</pallas_src>

<mosaic_0001>
#map = affine_map<(d0, d1) -> (0, 0, 0)>
module attributes {stable_mosaic.version = 14 : i64} {
  func.func @_sc_pool_body(%arg0: i32, %arg1: i32, %arg2: memref<26x32x100000xf32, #tpu.memory_space<hbm>>, %arg3: memref<26x4x4096xi32, #tpu.memory_space<hbm>>, %arg4: memref<26x32x4096xf32, #tpu.memory_space<hbm>>, %arg5: memref<100000xf32, #tpu.memory_space<vmem>>, %arg6: memref<4x4096xi32, #tpu.memory_space<vmem>>, %arg7: memref<4096xf32, #tpu.memory_space<vmem>>, %arg8: memref<!tpu.dma_semaphore, #tpu.memory_space<semaphore_mem>>, %arg9: memref<!tpu.dma_semaphore, #tpu.memory_space<semaphore_mem>>) attributes {dimension_semantics = [#tpu.dimension_semantics<core_parallel>, #tpu.dimension_semantics<subcore_parallel>], iteration_bounds = array<i64: 2, 16>, scalar_prefetch = 0 : i64, scratch_operands = 5 : i64, tpu.core_type = #tpu.core_type<sc_vector_subcore>, window_params = [{transform_indices = #map}, {transform_indices = #map}, {transform_indices = #map}]} {
    %mul3A = arith.constant 2 : i32
    %mul3A_0 = arith.muli %arg1, %mul3A : i32
    %add3A = arith.addi %mul3A_0, %arg0 : i32
    %scan3A = arith.constant 0 : i32
    %scan3A_1 = arith.constant 0 : i32
    %scan3A_2 = arith.constant 26 : i32
    %scan3A_3 = arith.addi %scan3A_1, %scan3A_2 : i32
    %scan3A_4 = arith.constant 1 : i32
    scf.for %scan3A_6 = %scan3A_1 to %scan3A_3 step %scan3A_4  : i32 {
      %dma_start3A = arith.constant 0 : i32
      %dma_start3A_7 = tpu.memref_slice %arg2[%scan3A_6, %add3A, %dma_start3A] : memref<26x32x100000xf32, #tpu.memory_space<hbm>> -> memref<1x1x100000xf32, #tpu.memory_space<hbm>>
      %dma_start3A_8 = tpu.memref_squeeze %dma_start3A_7 : memref<1x1x100000xf32, #tpu.memory_space<hbm>> -> memref<100000xf32, #tpu.memory_space<hbm>>
      %dma_start3A_9 = arith.constant 0 : i32
      %dma_start3A_10 = tpu.memref_slice %arg2[%scan3A_6, %add3A, %dma_start3A_9] : memref<26x32x100000xf32, #tpu.memory_space<hbm>> -> memref<1x1x100000xf32, #tpu.memory_space<hbm>>
      %dma_start3A_11 = tpu.memref_squeeze %dma_start3A_10 : memref<1x1x100000xf32, #tpu.memory_space<hbm>> -> memref<100000xf32, #tpu.memory_space<hbm>>
      tpu.enqueue_dma source(%dma_start3A_11 : memref<100000xf32, #tpu.memory_space<hbm>>) target(%arg5 : memref<100000xf32, #tpu.memory_space<vmem>>) target_semaphore(%arg8 : memref<!tpu.dma_semaphore, #tpu.memory_space<semaphore_mem>>)
      %dma_start3A_12 = arith.constant 0 : i32
      %dma_start3A_13 = arith.constant 0 : i32
      %dma_start3A_14 = tpu.memref_slice %arg3[%scan3A_6, %dma_start3A_12, %dma_start3A_13] : memref<26x4x4096xi32, #tpu.memory_space<hbm>> -> memref<1x4x4096xi32, #tpu.memory_space<hbm>>
      %dma_start3A_15 = tpu.memref_squeeze %dma_start3A_14 : memref<1x4x4096xi32, #tpu.memory_space<hbm>> -> memref<4x4096xi32, #tpu.memory_space<hbm>>
      %dma_start3A_16 = arith.constant 0 : i32
      %dma_start3A_17 = arith.constant 0 : i32
      %dma_start3A_18 = tpu.memref_slice %arg3[%scan3A_6, %dma_start3A_16, %dma_start3A_17] : memref<26x4x4096xi32, #tpu.memory_space<hbm>> -> memref<1x4x4096xi32, #tpu.memory_space<hbm>>
      %dma_start3A_19 = tpu.memref_squeeze %dma_start3A_18 : memref<1x4x4096xi32, #tpu.memory_space<hbm>> -> memref<4x4096xi32, #tpu.memory_space<hbm>>
      tpu.enqueue_dma source(%dma_start3A_19 : memref<4x4096xi32, #tpu.memory_space<hbm>>) target(%arg6 : memref<4x4096xi32, #tpu.memory_space<vmem>>) target_semaphore(%arg9 : memref<!tpu.dma_semaphore, #tpu.memory_space<semaphore_mem>>)
      %dma_wait3A = arith.constant 0 : i32
      %dma_wait3A_20 = tpu.memref_slice %arg2[%scan3A_6, %add3A, %dma_wait3A] : memref<26x32x100000xf32, #tpu.memory_space<hbm>> -> memref<1x1x100000xf32, #tpu.memory_space<hbm>>
      %dma_wait3A_21 = tpu.memref_squeeze %dma_wait3A_20 : memref<1x1x100000xf32, #tpu.memory_space<hbm>> -> memref<100000xf32, #tpu.memory_space<hbm>>
      %dma_wait3A_22 = arith.constant 0 : i32
      %dma_wait3A_23 = tpu.memref_slice %arg2[%scan3A_6, %add3A, %dma_wait3A_22] : memref<26x32x100000xf32, #tpu.memory_space<hbm>> -> memref<1x1x100000xf32, #tpu.memory_space<hbm>>
      %dma_wait3A_24 = tpu.memref_squeeze %dma_wait3A_23 : memref<1x1x100000xf32, #tpu.memory_space<hbm>> -> memref<100000xf32, #tpu.memory_space<hbm>>
      tpu.wait_dma2 semaphore(%arg8 : memref<!tpu.dma_semaphore, #tpu.memory_space<semaphore_mem>>) src(%dma_wait3A_24 : memref<100000xf32, #tpu.memory_space<hbm>>) dst(%arg5 : memref<100000xf32, #tpu.memory_space<vmem>>)
      %dma_wait3A_25 = arith.constant 0 : i32
      %dma_wait3A_26 = arith.constant 0 : i32
      %dma_wait3A_27 = tpu.memref_slice %arg3[%scan3A_6, %dma_wait3A_25, %dma_wait3A_26] : memref<26x4x4096xi32, #tpu.memory_space<hbm>> -> memref<1x4x4096xi32, #tpu.memory_space<hbm>>
      %dma_wait3A_28 = tpu.memref_squeeze %dma_wait3A_27 : memref<1x4x4096xi32, #tpu.memory_space<hbm>> -> memref<4x4096xi32, #tpu.memory_space<hbm>>
      %dma_wait3A_29 = arith.constant 0 : i32
      %dma_wait3A_30 = arith.constant 0 : i32
      %dma_wait3A_31 = tpu.memref_slice %arg3[%scan3A_6, %dma_wait3A_29, %dma_wait3A_30] : memref<26x4x4096xi32, #tpu.memory_space<hbm>> -> memref<1x4x4096xi32, #tpu.memory_space<hbm>>
      %dma_wait3A_32 = tpu.memref_squeeze %dma_wait3A_31 : memref<1x4x4096xi32, #tpu.memory_space<hbm>> -> memref<4x4096xi32, #tpu.memory_space<hbm>>
      tpu.wait_dma2 semaphore(%arg9 : memref<!tpu.dma_semaphore, #tpu.memory_space<semaphore_mem>>) src(%dma_wait3A_32 : memref<4x4096xi32, #tpu.memory_space<hbm>>) dst(%arg6 : memref<4x4096xi32, #tpu.memory_space<vmem>>)
      %scan3A_33 = arith.constant 0 : i32
      %scan3A_34 = arith.constant 0 : i32
      %scan3A_35 = arith.constant 256 : i32
      %scan3A_36 = arith.addi %scan3A_34, %scan3A_35 : i32
      %scan3A_37 = arith.constant 1 : i32
      scf.for %scan3A_39 = %scan3A_34 to %scan3A_36 step %scan3A_37  : i32 {
        %mul3A_40 = arith.constant 16 : i32
        %mul3A_41 = arith.muli %scan3A_39, %mul3A_40 : i32
        %get3A = arith.constant 0 : i32
        %get3A_42 = arith.index_cast %get3A : i32 to index
        %get3A_43 = arith.index_cast %mul3A_41 : i32 to index
        %get3A_44 = tpu.vector_load %arg6[%get3A_42, %get3A_43] {strides = array<i32>} : memref<4x4096xi32, #tpu.memory_space<vmem>>, vector<16xi32>,
        %gather3A = tpu.vector_load_idx %arg5[%get3A_44] : memref<100000xf32, #tpu.memory_space<vmem>>[vector<16xi32>], vector<16xf32>,
        %get3A_45 = arith.constant 1 : i32
        %get3A_46 = arith.index_cast %get3A_45 : i32 to index
        %get3A_47 = arith.index_cast %mul3A_41 : i32 to index
        %get3A_48 = tpu.vector_load %arg6[%get3A_46, %get3A_47] {strides = array<i32>} : memref<4x4096xi32, #tpu.memory_space<vmem>>, vector<16xi32>,
        %gather3A_49 = tpu.vector_load_idx %arg5[%get3A_48] : memref<100000xf32, #tpu.memory_space<vmem>>[vector<16xi32>], vector<16xf32>,
        %add3A_50 = arith.addf %gather3A, %gather3A_49 : vector<16xf32>
        %get3A_51 = arith.constant 2 : i32
        %get3A_52 = arith.index_cast %get3A_51 : i32 to index
        %get3A_53 = arith.index_cast %mul3A_41 : i32 to index
        %get3A_54 = tpu.vector_load %arg6[%get3A_52, %get3A_53] {strides = array<i32>} : memref<4x4096xi32, #tpu.memory_space<vmem>>, vector<16xi32>,
        %gather3A_55 = tpu.vector_load_idx %arg5[%get3A_54] : memref<100000xf32, #tpu.memory_space<vmem>>[vector<16xi32>], vector<16xf32>,
        %add3A_56 = arith.addf %add3A_50, %gather3A_55 : vector<16xf32>
        %get3A_57 = arith.constant 3 : i32
        %get3A_58 = arith.index_cast %get3A_57 : i32 to index
        %get3A_59 = arith.index_cast %mul3A_41 : i32 to index
        %get3A_60 = tpu.vector_load %arg6[%get3A_58, %get3A_59] {strides = array<i32>} : memref<4x4096xi32, #tpu.memory_space<vmem>>, vector<16xi32>,
        %gather3A_61 = tpu.vector_load_idx %arg5[%get3A_60] : memref<100000xf32, #tpu.memory_space<vmem>>[vector<16xi32>], vector<16xf32>,
        %add3A_62 = arith.addf %add3A_56, %gather3A_61 : vector<16xf32>
        %swap3A = arith.index_cast %mul3A_41 : i32 to index
        %swap3A_63 = tpu.vector_load %arg7[%swap3A] {strides = array<i32>} : memref<4096xf32, #tpu.memory_space<vmem>>, vector<16xf32>,
        tpu.vector_store %arg7[%swap3A], %add3A_62 {strides = array<i32>} : memref<4096xf32, #tpu.memory_space<vmem>>, vector<16xf32>,
      }
      %scan3A_38 = arith.constant 256 : i32
      "tpu.region"() ({
        %run_scoped3A = tpu.sem_alloc : memref<!tpu.dma_semaphore, #tpu.memory_space<semaphore_mem>>
        %dma_start3A_39 = arith.constant 0 : i32
        %dma_start3A_40 = tpu.memref_slice %arg4[%scan3A_6, %add3A, %dma_start3A_39] : memref<26x32x4096xf32, #tpu.memory_space<hbm>> -> memref<1x1x4096xf32, #tpu.memory_space<hbm>>
        %dma_start3A_41 = tpu.memref_squeeze %dma_start3A_40 : memref<1x1x4096xf32, #tpu.memory_space<hbm>> -> memref<4096xf32, #tpu.memory_space<hbm>>
        %dma_start3A_42 = arith.constant 0 : i32
        %dma_start3A_43 = tpu.memref_slice %arg4[%scan3A_6, %add3A, %dma_start3A_42] : memref<26x32x4096xf32, #tpu.memory_space<hbm>> -> memref<1x1x4096xf32, #tpu.memory_space<hbm>>
        %dma_start3A_44 = tpu.memref_squeeze %dma_start3A_43 : memref<1x1x4096xf32, #tpu.memory_space<hbm>> -> memref<4096xf32, #tpu.memory_space<hbm>>
        tpu.enqueue_dma source(%arg7 : memref<4096xf32, #tpu.memory_space<vmem>>) target(%dma_start3A_44 : memref<4096xf32, #tpu.memory_space<hbm>>) target_semaphore(%run_scoped3A : memref<!tpu.dma_semaphore, #tpu.memory_space<semaphore_mem>>)
        %dma_wait3A_45 = arith.constant 0 : i32
        %dma_wait3A_46 = tpu.memref_slice %arg4[%scan3A_6, %add3A, %dma_wait3A_45] : memref<26x32x4096xf32, #tpu.memory_space<hbm>> -> memref<1x1x4096xf32, #tpu.memory_space<hbm>>
        %dma_wait3A_47 = tpu.memref_squeeze %dma_wait3A_46 : memref<1x1x4096xf32, #tpu.memory_space<hbm>> -> memref<4096xf32, #tpu.memory_space<hbm>>
        %dma_wait3A_48 = arith.constant 0 : i32
        %dma_wait3A_49 = tpu.memref_slice %arg4[%scan3A_6, %add3A, %dma_wait3A_48] : memref<26x32x4096xf32, #tpu.memory_space<hbm>> -> memref<1x1x4096xf32, #tpu.memory_space<hbm>>
        %dma_wait3A_50 = tpu.memref_squeeze %dma_wait3A_49 : memref<1x1x4096xf32, #tpu.memory_space<hbm>> -> memref<4096xf32, #tpu.memory_space<hbm>>
        tpu.wait_dma2 semaphore(%run_scoped3A : memref<!tpu.dma_semaphore, #tpu.memory_space<semaphore_mem>>) src(%arg7 : memref<4096xf32, #tpu.memory_space<vmem>>) dst(%dma_wait3A_50 : memref<4096xf32, #tpu.memory_space<hbm>>)
        tpu.yield
      }) : () -> ()
    }
    %scan3A_5 = arith.constant 26 : i32
    return
  }
}

module attributes {stable_mosaic.version = 14 : i64} {
  func.func @_tc_body(%arg0: i32, %arg1: memref<256x13xf32, #tpu.memory_space<vmem>>, %arg2: memref<256x832xf32, #tpu.memory_space<vmem>>, %arg3: memref<13x512xf32, #tpu.memory_space<vmem>>, %arg4: memref<1x512xf32, #tpu.memory_space<vmem>>, %arg5: memref<512x256xf32, #tpu.memory_space<vmem>>, %arg6: memref<1x256xf32, #tpu.memory_space<vmem>>, %arg7: memref<256x32xf32, #tpu.memory_space<vmem>>, %arg8: memref<1x32xf32, #tpu.memory_space<vmem>>, %arg9: memref<32x1024xf32, #tpu.memory_space<vmem>>, %arg10: memref<729x1024xf32, #tpu.memory_space<vmem>>, %arg11: memref<1x1024xf32, #tpu.memory_space<vmem>>, %arg12: memref<1024x1024xf32, #tpu.memory_space<vmem>>, %arg13: memref<1x1024xf32, #tpu.memory_space<vmem>>, %arg14: memref<1024x512xf32, #tpu.memory_space<vmem>>, %arg15: memref<1x512xf32, #tpu.memory_space<vmem>>, %arg16: memref<512x256xf32, #tpu.memory_space<vmem>>, %arg17: memref<1x256xf32, #tpu.memory_space<vmem>>, %arg18: memref<256x1xf32, #tpu.memory_space<vmem>>, %arg19: memref<1x1xf32, #tpu.memory_space<vmem>>, %arg20: memref<256x1xf32, #tpu.memory_space<vmem>>) attributes {dimension_semantics = [#tpu.dimension_semantics<arbitrary>], iteration_bounds = array<i64: 16>, scalar_prefetch = 0 : i64, scratch_operands = 0 : i64, tpu.core_type = #tpu.core_type<tc>, window_params = [{transform_indices = @transform_0, window_bounds = array<i64: 256, 13>}, {transform_indices = @transform_1, window_bounds = array<i64: 256, 832>}, {pipeline_mode = #tpu.pipeline_mode<synchronous>, transform_indices = @transform_2, window_bounds = array<i64: 13, 512>}, {pipeline_mode = #tpu.pipeline_mode<synchronous>, transform_indices = @transform_3, window_bounds = array<i64: 1, 512>}, {pipeline_mode = #tpu.pipeline_mode<synchronous>, transform_indices = @transform_4, window_bounds = array<i64: 512, 256>}, {pipeline_mode = #tpu.pipeline_mode<synchronous>, transform_indices = @transform_5, window_bounds = array<i64: 1, 256>}, {pipeline_mode = #tpu.pipeline_mode<synchronous>, transform_indices = @transform_6, window_bounds = array<i64: 256, 32>}, {pipeline_mode = #tpu.pipeline_mode<synchronous>, transform_indices = @transform_7, window_bounds = array<i64: 1, 32>}, {pipeline_mode = #tpu.pipeline_mode<synchronous>, transform_indices = @transform_8, window_bounds = array<i64: 32, 1024>}, {pipeline_mode = #tpu.pipeline_mode<synchronous>, transform_indices = @transform_9, window_bounds = array<i64: 729, 1024>}, {pipeline_mode = #tpu.pipeline_mode<synchronous>, transform_indices = @transform_10, window_bounds = array<i64: 1, 1024>}, {pipeline_mode = #tpu.pipeline_mode<synchronous>, transform_indices = @transform_11, window_bounds = array<i64: 1024, 1024>}, {pipeline_mode = #tpu.pipeline_mode<synchronous>, transform_indices = @transform_12, window_bounds = array<i64: 1, 1024>}, {pipeline_mode = #tpu.pipeline_mode<synchronous>, transform_indices = @transform_13, window_bounds = array<i64: 1024, 512>}, {pipeline_mode = #tpu.pipeline_mode<synchronous>, transform_indices = @transform_14, window_bounds = array<i64: 1, 512>}, {pipeline_mode = #tpu.pipeline_mode<synchronous>, transform_indices = @transform_15, window_bounds = array<i64: 512, 256>}, {pipeline_mode = #tpu.pipeline_mode<synchronous>, transform_indices = @transform_16, window_bounds = array<i64: 1, 256>}, {pipeline_mode = #tpu.pipeline_mode<synchronous>, transform_indices = @transform_17, window_bounds = array<i64: 256, 1>}, {pipeline_mode = #tpu.pipeline_mode<synchronous>, transform_indices = @transform_18, window_bounds = array<i64: 1, 1>}, {transform_indices = @transform_19, window_bounds = array<i64: 256, 1>}]} {
    %get3A = arith.constant 0 : index
    %get3A_0 = arith.constant 0 : index
    %get3A_1 = vector.load %arg1[%get3A, %get3A_0] : memref<256x13xf32, #tpu.memory_space<vmem>>, vector<256x13xf32>
    %get3A_2 = arith.constant 0 : index
    %get3A_3 = arith.constant 0 : index
    %get3A_4 = vector.load %arg3[%get3A_2, %get3A_3] : memref<13x512xf32, #tpu.memory_space<vmem>>, vector<13x512xf32>
    %dot_general3A = arith.constant dense<0.000000e+00> : vector<256x512xf32>
    %dot_general3A_5 = tpu.matmul %get3A_1, %get3A_4, %dot_general3A {dimension_numbers = #tpu.dot_dimension_numbers<[1], [0], [0], [1], [0, 0, 1, 1], [], []>, transpose_lhs_hint = false} : vector<256x13xf32>, vector<13x512xf32>, vector<256x512xf32> -> vector<256x512xf32>
    %get3A_6 = arith.constant 0 : index
    %get3A_7 = arith.constant 0 : index
    %get3A_8 = vector.load %arg4[%get3A_6, %get3A_7] : memref<1x512xf32, #tpu.memory_space<vmem>>, vector<1x512xf32>
    %add3A = vector.broadcast %get3A_8 : vector<1x512xf32> to vector<256x512xf32>
    %add3A_9 = arith.addf %dot_general3A_5, %add3A : vector<256x512xf32>
    %max3A = arith.constant 0.000000e+00 : f32
    %max3A_10 = vector.broadcast %max3A : f32 to vector<256x512xf32>
    %max3A_11 = arith.maximumf %add3A_9, %max3A_10 : vector<256x512xf32>
    %get3A_12 = arith.constant 0 : index
    %get3A_13 = arith.constant 0 : index
    %get3A_14 = vector.load %arg5[%get3A_12, %get3A_13] : memref<512x256xf32, #tpu.memory_space<vmem>>, vector<512x256xf32>
    %dot_general3A_15 = arith.constant dense<0.000000e+00> : vector<256x256xf32>
    %dot_general3A_16 = tpu.matmul %max3A_11, %get3A_14, %dot_general3A_15 {dimension_numbers = #tpu.dot_dimension_numbers<[1], [0], [0], [1], [0, 0, 1, 1], [], []>, transpose_lhs_hint = false} : vector<256x512xf32>, vector<512x256xf32>, vector<256x256xf32> -> vector<256x256xf32>
    %get3A_17 = arith.constant 0 : index
    %get3A_18 = arith.constant 0 : index
    %get3A_19 = vector.load %arg6[%get3A_17, %get3A_18] : memref<1x256xf32, #tpu.memory_space<vmem>>, vector<1x256xf32>
    %add3A_20 = vector.broadcast %get3A_19 : vector<1x256xf32> to vector<256x256xf32>
    %add3A_21 = arith.addf %dot_general3A_16, %add3A_20 : vector<256x256xf32>
    %max3A_22 = arith.constant 0.000000e+00 : f32
    %max3A_23 = vector.broadcast %max3A_22 : f32 to vector<256x256xf32>
    %max3A_24 = arith.maximumf %add3A_21, %max3A_23 : vector<256x256xf32>
    %get3A_25 = arith.constant 0 : index
    %get3A_26 = arith.constant 0 : index
    %get3A_27 = vector.load %arg7[%get3A_25, %get3A_26] : memref<256x32xf32, #tpu.memory_space<vmem>>, vector<256x32xf32>
    %dot_general3A_28 = arith.constant dense<0.000000e+00> : vector<256x32xf32>
    %dot_general3A_29 = tpu.matmul %max3A_24, %get3A_27, %dot_general3A_28 {dimension_numbers = #tpu.dot_dimension_numbers<[1], [0], [0], [1], [0, 0, 1, 1], [], []>, transpose_lhs_hint = false} : vector<256x256xf32>, vector<256x32xf32>, vector<256x32xf32> -> vector<256x32xf32>
    %get3A_30 = arith.constant 0 : index
    %get3A_31 = arith.constant 0 : index
    %get3A_32 = vector.load %arg8[%get3A_30, %get3A_31] : memref<1x32xf32, #tpu.memory_space<vmem>>, vector<1x32xf32>
    %add3A_33 = vector.broadcast %get3A_32 : vector<1x32xf32> to vector<256x32xf32>
    %add3A_34 = arith.addf %dot_general3A_29, %add3A_33 : vector<256x32xf32>
    %get3A_35 = arith.constant 0 : index
    %get3A_36 = arith.constant 0 : index
    %get3A_37 = vector.load %arg2[%get3A_35, %get3A_36] : memref<256x832xf32, #tpu.memory_space<vmem>>, vector<256x832xf32>
    %concatenate3A = tpu.concatenate %get3A_37, %add3A_34 in 1 : vector<256x832xf32>, vector<256x32xf32> -> vector<256x864xf32>
    %reshape3A = vector.shape_cast %concatenate3A : vector<256x864xf32> to vector<256x27x32xf32>
    %dot_general3A_38 = arith.constant dense<0.000000e+00> : vector<256x27x27xf32>
    %dot_general3A_39 = tpu.matmul %reshape3A, %reshape3A, %dot_general3A_38 {dimension_numbers = #tpu.dot_dimension_numbers<[2], [2], [1], [1], [0, 0, 0, 1, 1, 1], [0], [0]>, transpose_lhs_hint = false} : vector<256x27x32xf32>, vector<256x27x32xf32>, vector<256x27x27xf32> -> vector<256x27x27xf32>
    %reshape3A_40 = vector.shape_cast %dot_general3A_39 : vector<256x27x27xf32> to vector<256x729xf32>
    %get3A_41 = arith.constant 0 : index
    %get3A_42 = arith.constant 0 : index
    %get3A_43 = vector.load %arg9[%get3A_41, %get3A_42] : memref<32x1024xf32, #tpu.memory_space<vmem>>, vector<32x1024xf32>
    %dot_general3A_44 = arith.constant dense<0.000000e+00> : vector<256x1024xf32>
    %dot_general3A_45 = tpu.matmul %add3A_34, %get3A_43, %dot_general3A_44 {dimension_numbers = #tpu.dot_dimension_numbers<[1], [0], [0], [1], [0, 0, 1, 1], [], []>, transpose_lhs_hint = false} : vector<256x32xf32>, vector<32x1024xf32>, vector<256x1024xf32> -> vector<256x1024xf32>
    %get3A_46 = arith.constant 0 : index
    %get3A_47 = arith.constant 0 : index
    %get3A_48 = vector.load %arg10[%get3A_46, %get3A_47] : memref<729x1024xf32, #tpu.memory_space<vmem>>, vector<729x1024xf32>
    %dot_general3A_49 = arith.constant dense<0.000000e+00> : vector<256x1024xf32>
    %dot_general3A_50 = tpu.matmul %reshape3A_40, %get3A_48, %dot_general3A_49 {dimension_numbers = #tpu.dot_dimension_numbers<[1], [0], [0], [1], [0, 0, 1, 1], [], []>, transpose_lhs_hint = false} : vector<256x729xf32>, vector<729x1024xf32>, vector<256x1024xf32> -> vector<256x1024xf32>
    %add3A_51 = arith.addf %dot_general3A_45, %dot_general3A_50 : vector<256x1024xf32>
    %get3A_52 = arith.constant 0 : index
    %get3A_53 = arith.constant 0 : index
    %get3A_54 = vector.load %arg11[%get3A_52, %get3A_53] : memref<1x1024xf32, #tpu.memory_space<vmem>>, vector<1x1024xf32>
    %add3A_55 = vector.broadcast %get3A_54 : vector<1x1024xf32> to vector<256x1024xf32>
    %add3A_56 = arith.addf %add3A_51, %add3A_55 : vector<256x1024xf32>
    %max3A_57 = arith.constant 0.000000e+00 : f32
    %max3A_58 = vector.broadcast %max3A_57 : f32 to vector<256x1024xf32>
    %max3A_59 = arith.maximumf %add3A_56, %max3A_58 : vector<256x1024xf32>
    %get3A_60 = arith.constant 0 : index
    %get3A_61 = arith.constant 0 : index
    %get3A_62 = vector.load %arg12[%get3A_60, %get3A_61] : memref<1024x1024xf32, #tpu.memory_space<vmem>>, vector<1024x1024xf32>
    %dot_general3A_63 = arith.constant dense<0.000000e+00> : vector<256x1024xf32>
    %dot_general3A_64 = tpu.matmul %max3A_59, %get3A_62, %dot_general3A_63 {dimension_numbers = #tpu.dot_dimension_numbers<[1], [0], [0], [1], [0, 0, 1, 1], [], []>, transpose_lhs_hint = false} : vector<256x1024xf32>, vector<1024x1024xf32>, vector<256x1024xf32> -> vector<256x1024xf32>
    %get3A_65 = arith.constant 0 : index
    %get3A_66 = arith.constant 0 : index
    %get3A_67 = vector.load %arg13[%get3A_65, %get3A_66] : memref<1x1024xf32, #tpu.memory_space<vmem>>, vector<1x1024xf32>
    %add3A_68 = vector.broadcast %get3A_67 : vector<1x1024xf32> to vector<256x1024xf32>
    %add3A_69 = arith.addf %dot_general3A_64, %add3A_68 : vector<256x1024xf32>
    %max3A_70 = arith.constant 0.000000e+00 : f32
    %max3A_71 = vector.broadcast %max3A_70 : f32 to vector<256x1024xf32>
    %max3A_72 = arith.maximumf %add3A_69, %max3A_71 : vector<256x1024xf32>
    %get3A_73 = arith.constant 0 : index
    %get3A_74 = arith.constant 0 : index
    %get3A_75 = vector.load %arg14[%get3A_73, %get3A_74] : memref<1024x512xf32, #tpu.memory_space<vmem>>, vector<1024x512xf32>
    %dot_general3A_76 = arith.constant dense<0.000000e+00> : vector<256x512xf32>
    %dot_general3A_77 = tpu.matmul %max3A_72, %get3A_75, %dot_general3A_76 {dimension_numbers = #tpu.dot_dimension_numbers<[1], [0], [0], [1], [0, 0, 1, 1], [], []>, transpose_lhs_hint = false} : vector<256x1024xf32>, vector<1024x512xf32>, vector<256x512xf32> -> vector<256x512xf32>
    %get3A_78 = arith.constant 0 : index
    %get3A_79 = arith.constant 0 : index
    %get3A_80 = vector.load %arg15[%get3A_78, %get3A_79] : memref<1x512xf32, #tpu.memory_space<vmem>>, vector<1x512xf32>
    %add3A_81 = vector.broadcast %get3A_80 : vector<1x512xf32> to vector<256x512xf32>
    %add3A_82 = arith.addf %dot_general3A_77, %add3A_81 : vector<256x512xf32>
    %max3A_83 = arith.constant 0.000000e+00 : f32
    %max3A_84 = vector.broadcast %max3A_83 : f32 to vector<256x512xf32>
    %max3A_85 = arith.maximumf %add3A_82, %max3A_84 : vector<256x512xf32>
    %get3A_86 = arith.constant 0 : index
    %get3A_87 = arith.constant 0 : index
    %get3A_88 = vector.load %arg16[%get3A_86, %get3A_87] : memref<512x256xf32, #tpu.memory_space<vmem>>, vector<512x256xf32>
    %dot_general3A_89 = arith.constant dense<0.000000e+00> : vector<256x256xf32>
    %dot_general3A_90 = tpu.matmul %max3A_85, %get3A_88, %dot_general3A_89 {dimension_numbers = #tpu.dot_dimension_numbers<[1], [0], [0], [1], [0, 0, 1, 1], [], []>, transpose_lhs_hint = false} : vector<256x512xf32>, vector<512x256xf32>, vector<256x256xf32> -> vector<256x256xf32>
    %get3A_91 = arith.constant 0 : index
    %get3A_92 = arith.constant 0 : index
    %get3A_93 = vector.load %arg17[%get3A_91, %get3A_92] : memref<1x256xf32, #tpu.memory_space<vmem>>, vector<1x256xf32>
    %add3A_94 = vector.broadcast %get3A_93 : vector<1x256xf32> to vector<256x256xf32>
    %add3A_95 = arith.addf %dot_general3A_90, %add3A_94 : vector<256x256xf32>
    %max3A_96 = arith.constant 0.000000e+00 : f32
    %max3A_97 = vector.broadcast %max3A_96 : f32 to vector<256x256xf32>
    %max3A_98 = arith.maximumf %add3A_95, %max3A_97 : vector<256x256xf32>
    %get3A_99 = arith.constant 0 : index
    %get3A_100 = arith.constant 0 : index
    %get3A_101 = vector.load %arg18[%get3A_99, %get3A_100] : memref<256x1xf32, #tpu.memory_space<vmem>>, vector<256x1xf32>
    %dot_general3A_102 = arith.constant dense<0.000000e+00> : vector<256x1xf32>
    %dot_general3A_103 = tpu.matmul %max3A_98, %get3A_101, %dot_general3A_102 {dimension_numbers = #tpu.dot_dimension_numbers<[1], [0], [0], [1], [0, 0, 1, 1], [], []>, transpose_lhs_hint = false} : vector<256x256xf32>, vector<256x1xf32>, vector<256x1xf32> -> vector<256x1xf32>
    %get3A_104 = arith.constant 0 : index
    %get3A_105 = arith.constant 0 : index
    %get3A_106 = vector.load %arg19[%get3A_104, %get3A_105] : memref<1x1xf32, #tpu.memory_space<vmem>>, vector<1x1xf32>
    %add3A_107 = vector.broadcast %get3A_106 : vector<1x1xf32> to vector<256x1xf32>
    %add3A_108 = arith.addf %dot_general3A_103, %add3A_107 : vector<256x1xf32>
    %swap3A = arith.constant 0 : index
    %swap3A_109 = arith.constant 0 : index
    %swap3A_110 = vector.load %arg20[%swap3A, %swap3A_109] : memref<256x1xf32, #tpu.memory_space<vmem>>, vector<256x1xf32>
    tpu.vector_store %arg20[%swap3A, %swap3A_109], %add3A_108 {strides = array<i32>} : memref<256x1xf32, #tpu.memory_space<vmem>>, vector<256x1xf32>,
    return
  }
  func.func @transform_0(%arg0: i32) -> (i32, i32) {
    %c0_i32 = arith.constant 0 : i32
    %c0_i32_0 = arith.constant 0 : i32
    return %arg0, %c0_i32 : i32, i32
  }
  func.func @transform_1(%arg0: i32) -> (i32, i32) {
    %c0_i32 = arith.constant 0 : i32
    %c0_i32_0 = arith.constant 0 : i32
    return %arg0, %c0_i32 : i32, i32
  }
  func.func @transform_2(%arg0: i32) -> (i32, i32) {
    %c0_i32 = arith.constant 0 : i32
    %c0_i32_0 = arith.constant 0 : i32
    %c0_i32_1 = arith.constant 0 : i32
    return %c0_i32, %c0_i32_0 : i32, i32
  }
  func.func @transform_3(%arg0: i32) -> (i32, i32) {
    %c0_i32 = arith.constant 0 : i32
    %c0_i32_0 = arith.constant 0 : i32
    %c0_i32_1 = arith.constant 0 : i32
    return %c0_i32, %c0_i32_0 : i32, i32
  }
  func.func @transform_4(%arg0: i32) -> (i32, i32) {
    %c0_i32 = arith.constant 0 : i32
    %c0_i32_0 = arith.constant 0 : i32
    %c0_i32_1 = arith.constant 0 : i32
    return %c0_i32, %c0_i32_0 : i32, i32
  }
  func.func @transform_5(%arg0: i32) -> (i32, i32) {
    %c0_i32 = arith.constant 0 : i32
    %c0_i32_0 = arith.constant 0 : i32
    %c0_i32_1 = arith.constant 0 : i32
    return %c0_i32, %c0_i32_0 : i32, i32
  }
  func.func @transform_6(%arg0: i32) -> (i32, i32) {
    %c0_i32 = arith.constant 0 : i32
    %c0_i32_0 = arith.constant 0 : i32
    %c0_i32_1 = arith.constant 0 : i32
    return %c0_i32, %c0_i32_0 : i32, i32
  }
  func.func @transform_7(%arg0: i32) -> (i32, i32) {
    %c0_i32 = arith.constant 0 : i32
    %c0_i32_0 = arith.constant 0 : i32
    %c0_i32_1 = arith.constant 0 : i32
    return %c0_i32, %c0_i32_0 : i32, i32
  }
  func.func @transform_8(%arg0: i32) -> (i32, i32) {
    %c0_i32 = arith.constant 0 : i32
    %c0_i32_0 = arith.constant 0 : i32
    %c0_i32_1 = arith.constant 0 : i32
    return %c0_i32, %c0_i32_0 : i32, i32
  }
  func.func @transform_9(%arg0: i32) -> (i32, i32) {
    %c0_i32 = arith.constant 0 : i32
    %c0_i32_0 = arith.constant 0 : i32
    %c0_i32_1 = arith.constant 0 : i32
    return %c0_i32, %c0_i32_0 : i32, i32
  }
  func.func @transform_10(%arg0: i32) -> (i32, i32) {
    %c0_i32 = arith.constant 0 : i32
    %c0_i32_0 = arith.constant 0 : i32
    %c0_i32_1 = arith.constant 0 : i32
    return %c0_i32, %c0_i32_0 : i32, i32
  }
  func.func @transform_11(%arg0: i32) -> (i32, i32) {
    %c0_i32 = arith.constant 0 : i32
    %c0_i32_0 = arith.constant 0 : i32
    %c0_i32_1 = arith.constant 0 : i32
    return %c0_i32, %c0_i32_0 : i32, i32
  }
  func.func @transform_12(%arg0: i32) -> (i32, i32) {
    %c0_i32 = arith.constant 0 : i32
    %c0_i32_0 = arith.constant 0 : i32
    %c0_i32_1 = arith.constant 0 : i32
    return %c0_i32, %c0_i32_0 : i32, i32
  }
  func.func @transform_13(%arg0: i32) -> (i32, i32) {
    %c0_i32 = arith.constant 0 : i32
    %c0_i32_0 = arith.constant 0 : i32
    %c0_i32_1 = arith.constant 0 : i32
    return %c0_i32, %c0_i32_0 : i32, i32
  }
  func.func @transform_14(%arg0: i32) -> (i32, i32) {
    %c0_i32 = arith.constant 0 : i32
    %c0_i32_0 = arith.constant 0 : i32
    %c0_i32_1 = arith.constant 0 : i32
    return %c0_i32, %c0_i32_0 : i32, i32
  }
  func.func @transform_15(%arg0: i32) -> (i32, i32) {
    %c0_i32 = arith.constant 0 : i32
    %c0_i32_0 = arith.constant 0 : i32
    %c0_i32_1 = arith.constant 0 : i32
    return %c0_i32, %c0_i32_0 : i32, i32
  }
  func.func @transform_16(%arg0: i32) -> (i32, i32) {
    %c0_i32 = arith.constant 0 : i32
    %c0_i32_0 = arith.constant 0 : i32
    %c0_i32_1 = arith.constant 0 : i32
    return %c0_i32, %c0_i32_0 : i32, i32
  }
  func.func @transform_17(%arg0: i32) -> (i32, i32) {
    %c0_i32 = arith.constant 0 : i32
    %c0_i32_0 = arith.constant 0 : i32
    %c0_i32_1 = arith.constant 0 : i32
    return %c0_i32, %c0_i32_0 : i32, i32
  }
  func.func @transform_18(%arg0: i32) -> (i32, i32) {
    %c0_i32 = arith.constant 0 : i32
    %c0_i32_0 = arith.constant 0 : i32
    %c0_i32_1 = arith.constant 0 : i32
    return %c0_i32, %c0_i32_0 : i32, i32
  }
  func.func @transform_19(%arg0: i32) -> (i32, i32) {
    %c0_i32 = arith.constant 0 : i32
    %c0_i32_0 = arith.constant 0 : i32
    return %arg0, %c0_i32 : i32, i32
  }
}

</mosaic_0001>

<sc_bundles>
// kernel: kernel.4.cloned.1.call-start
scs
__scs_entry_jumppad:
0x0: {  	(pc) =	sbr.rel $0x88, $3  }
0x1: {  	(tag) =	ssettag $0x0;
	lr =	simm.s32 $0x1  }
0x2: {  	[smem:$0x3F8E] =	sst lr;
	_ =	strace $0xD0000000  }
0x3: {  	_ = 	snop  }
0x4: {  	_ = 	snop  }
0x5: {  	_ = 	snop  }
0x6: {  	_ = 	snop  }
0x7: {  	_ = 	snop  }
__scs_overlays_trampoline_lowered:
0x8: {  	[smem:$0x3F9D] =	sst s0  }
0x9: {  	[smem:$0x3F9E] =	sst s1  }
0xa: {  	[smem:$0x3F9F] =	sst s2  }
0xb: {  	[smem:$0x3FA0] =	sst s3  }
0xc: {  	[smem:$0x3FA1] =	sst s4  }
0xd: {  	[smem:$0x3FA2] =	sst s5  }
0xe: {  	[smem:$0x3FA3] =	sst s6  }
0xf: {  	[smem:$0x3FA4] =	sst s7  }
0x10: {  	[smem:$0x3FA5] =	sst s8  }
0x11: {  	[smem:$0x3FA6] =	sst s9;
	s0 =	simm.s32 @!p0 $0x0  }
0x12: {  	s1 =	sld [smem:$0x3F8C];
	s0 =	simm.s32 @p0 $0x1  }
0x13: {  	[smem:$0x3FA7] =	sst s0;
	s0 =	simm.s32 @!p1 $0x0  }
0x14: {  	s2 =	sld [smem:$0x3F8B];
	s0 =	simm.s32 @p1 $0x1  }
0x15: {  	[smem:$0x3FA8] =	sst s0;
	s0 =	simm.s32 @!p2 $0x0  }
0x16: {  	s3 =	sld [smem:$0x3FDB];
	s0 =	simm.s32 @p2 $0x1  }
0x17: {  	s4 =	simm.s32 $0x1BF5;
	[smem:$0x3FAA] =	sst s0  }
0x18: {  	s0 =	sld [smem:$0x3F8D];
	_ =	swait.ge [sflag:s4], $0x0  }
0x19: {  	s7 =	sld [smem:$0x3F8E]  }
0x1a: {  	s8 =	sadd.s32 $0xFFFFE003, lr  }
0x1b: {  	s9 =	sadd.s32 $0xFFFFFEF7, lr;
	s5 =	simm.s32 $0xFFFFFFFF;
	p2 =	slt.u32 s8, $0xFFFFF086  }
0x1c: {  	p1 =	slt.u32 s9, $0xF7A;
	s5 =	simm.s32 @!p2 $0x0  }
0x1d: {  	s5 =	simm.s32 @p1 $0x1;
	p0 =	seq.s32 s7, s2  }
0x1e: {  	s7 =	smul.u32 @!p0 $0xF7A, s2;
	p2 =	seq.s32 @!p0 s5, $0x0  }
0x1f: {  	s9 =	smul.u32 $0xF7A, s1;
	s8 =	simm.s32 @!p0 $0x1BF5;
	p2 =	por !p2, p0  }
0x20: {  	[sflag:s8] =	ssyncset.s32 @!p0 $0xFFFFF086;
	s6 =	sadd.s32 @!p0 s3, s7;
	s7 =	simm.s32 @!p0 $0x108  }
0x21: {  	s3 =	sadd.s32 s3, s9;
	s6 =	sadd.s32 @!p0 $0x88, s6;
	s7 =	simm.s32 @p2 $0x1082  }
0x22: {  	[simem:s7], [sflag:s8] =	dma.local @!p0 [hbm:s6], $0xF7A  }
0x23: {  	s9 =	sor.u32 $0xD0000000, s2;
	s6 =	simm.s32 $0x108;
	_ =	swait.ge @!p0 [sflag:s8], $0x0  }
0x24: {  	s3 =	sadd.s32 $0x88, s3;
	s6 =	simm.s32 @!p1 $0x1082;
	[sflag:s4] =	ssyncset.s32 $0xFFFFF086  }
0x25: {  	[simem:s6], [sflag:s4] =	dma.local [hbm:s3], $0xF7A  }
0x26: {  	[smem:$0x3F8E] =	sst s1;
	(tag) =	ssettag s2;
	_ =	strace s9  }
0x27: {  	s1 =	sld [smem:$0x3F9E]  }
0x28: {  	s2 =	sld [smem:$0x3F9F]  }
0x29: {  	s4 =	sld [smem:$0x3FA1]  }
0x2a: {  	p0 =	seq.s32 s5, $0x0;
	s5 =	sld [smem:$0x3FA2]  }
0x2b: {  	s6 =	sld [smem:$0x3FA3]  }
0x2c: {  	s7 =	sld [smem:$0x3FA4]  }
0x2d: {  	s3 =	simm.s32 $0x108;
	s8 =	sld [smem:$0x3FA5]  }
0x2e: {  	s3 =	simm.s32 @!p0 $0x1082;
	s9 =	sld [smem:$0x3FA6]  }
0x2f: {  	lr =	sadd.s32 s0, s3;
	s0 =	sld [smem:$0x3F9D]  }
0x30: {  	s3 =	sld [smem:$0x3FA0]  }
0x31: {  	[smem:$0x3FA9] =	sst s10  }
0x32: {  	s10 =	sld [smem:$0x3FA7];
	_ =	sdelay $0x3  }
0x33: {  	p0 =	seq.s32 s10, $0x1;
	s10 =	sld [smem:$0x3FA9];
	_ =	sdelay $0x3  }
0x34: {  	[smem:$0x3FA9] =	sst s10  }
0x35: {  	s10 =	sld [smem:$0x3FA8];
	_ =	sdelay $0x3  }
0x36: {  	p1 =	seq.s32 s10, $0x1;
	s10 =	sld [smem:$0x3FA9];
	_ =	sdelay $0x3  }
0x37: {  	[smem:$0x3FA9] =	sst s10  }
0x38: {  	s10 =	sld [smem:$0x3FAA]  }
0x39: {  	_ = 	snop;
	(pc) =	sbr.ind lr, $3  }
0x3a: {  	_ = 	snop  }
0x3b: {  	_ = 	snop  }
0x3c: {  	p2 =	seq.s32 s10, $0x1;
	s10 =	sld [smem:$0x3FA9]  }
0x3d: {  	_ =	shalt  }
0x3e: {  	_ =	shalt  }
0x3f: {  	_ =	shalt  }
0x40: {  	_ =	shalt  }
0x41: {  	_ =	shalt  }
0x42: {  	_ =	shalt  }
0x43: {  	_ =	shalt  }
0x44: {  	_ =	shalt  }
0x45: {  	_ =	shalt  }
0x46: {  	_ =	shalt  }
0x47: {  	_ =	shalt  }
0x48: {  	_ =	shalt  }
0x49: {  	_ =	shalt  }
0x4a: {  	_ =	shalt  }
0x4b: {  	_ =	shalt  }
0x4c: {  	_ =	shalt  }
0x4d: {  	_ =	shalt  }
0x4e: {  	_ =	shalt  }
0x4f: {  	_ =	shalt  }
0x50: {  	_ =	shalt  }
0x51: {  	_ =	shalt  }
0x52: {  	_ =	shalt  }
0x53: {  	_ =	shalt  }
0x54: {  	_ =	shalt  }
0x55: {  	_ =	shalt  }
0x56: {  	_ =	shalt  }
0x57: {  	_ =	shalt  }
0x58: {  	_ =	shalt  }
0x59: {  	_ =	shalt  }
0x5a: {  	_ =	shalt  }
0x5b: {  	_ =	shalt  }
0x5c: {  	_ =	shalt  }
0x5d: {  	_ =	shalt  }
0x5e: {  	_ =	shalt  }
0x5f: {  	_ =	shalt  }
0x60: {  	_ =	shalt  }
0x61: {  	_ =	shalt  }
0x62: {  	_ =	shalt  }
0x63: {  	_ =	shalt  }
0x64: {  	_ =	shalt  }
0x65: {  	_ =	shalt  }
0x66: {  	_ =	shalt  }
0x67: {  	_ =	shalt  }
0x68: {  	_ =	shalt  }
0x69: {  	_ =	shalt  }
0x6a: {  	_ =	shalt  }
0x6b: {  	_ =	shalt  }
0x6c: {  	_ =	shalt  }
0x6d: {  	_ =	shalt  }
0x6e: {  	_ =	shalt  }
0x6f: {  	_ =	shalt  }
0x70: {  	_ =	shalt  }
0x71: {  	_ =	shalt  }
0x72: {  	_ =	shalt  }
0x73: {  	_ =	shalt  }
0x74: {  	_ =	shalt  }
0x75: {  	_ =	shalt  }
0x76: {  	_ =	shalt  }
0x77: {  	_ =	shalt  }
0x78: {  	_ =	shalt  }
0x79: {  	_ =	shalt  }
0x7a: {  	_ =	shalt  }
0x7b: {  	_ =	shalt  }
0x7c: {  	_ =	shalt  }
0x7d: {  	_ =	shalt  }
0x7e: {  	_ =	shalt  }
0x7f: {  	_ =	shalt  }
0x80: {  	_ =	shalt  }
0x81: {  	_ =	shalt  }
0x82: {  	_ =	shalt  }
0x83: {  	_ =	shalt  }
0x84: {  	_ =	shalt  }
0x85: {  	_ =	shalt  }
0x86: {  	_ =	shalt  }
0x87: {  	_ =	shalt  }
.Lfunc_end0:
.L_simem_size_0:
called_computation_lowered:
.L_overlay_start_0:
0x88: {  	s2 =	sld [smem:$0x3FD9]  }
0x89: {  	s3 =	sld [smem:$0x3FFE];
	_ =	sdelay $0x1  }
0x8a: {  	s1 =	srdreg.scid  }
0x8b: {  	s0 =	sand.u32 $0x1, s1  }
0x8c: {  	s16 =	sshll.u32 s0, $0xA;
	s2 =	sadd.s32 s3, s2  }
0x8d: {  	s2 =	sadd.s32 s2, s16  }
0x8e: {  	[smem:$0x3FB5] =	sst s2  }
0x8f: {  	_ = 	snop  }
0x90: {  	(tm) =	ssettm $0x1  }
0x91: {  	s17 =	sld [smem:$0x3FFB];
	_ =	sdelay $0x3  }
0x92: {  	_ =	strace s17  }
0x93: {  	s2 =	sld [smem:$0x3FFC];
	_ =	sdelay $0x3  }
0x94: {  	_ =	strace s2  }
0x95: {  	s2 =	sld [smem:$0x3FFD];
	_ =	sdelay $0x3  }
0x96: {  	_ =	strace s2  }
0x97: {  	_ =	strace $0x8FFFFFFF  }
0x98: {  	s18 =	sld [smem:$0x3FDB];
	_ =	sdelay $0x1  }
0x99: {  	s19 =	simm.s32 $_scs_section_size  }
0x9a: {  	s4 =	simm.s32 $_size__tile_overlayer_lowered;
	s5 =	simm.s32 $_tile_overlayer_lowered  }
0x9b: {  	s22 =	simm.s32 $0x1BFF;
	s21 =	sshll.u32 s5, $0x1;
	s2 =	sadd.s32 s19, s18  }
0x9c: {  	s6 =	simm.s32 $0x0;
	s20 =	sshll.u32 s4, $0x1;
	s4 =	sadd.s32 s21, s2  }
0x9d: {  	[timem:s6], [sflag:s22] =	dma.local [hbm:s4], s20  }
0x9e: {  	_ =	swait.ge [sflag:s22], s20  }
0x9f: {  	s3 =	ssub.s32 $0x0, s20;
	[sflag:s22] =	ssyncset.done $0x0  }
0xa0: {  	[sflag:s22] =	ssyncadd.s32 s3;
	_ =	sdelay $0x1  }
0xa1: {  	s23 =	simm.s32 $0x1B8B  }
0xa2: {  	_ =	swait.ge [sflag:s23], $0x1  }
0xa3: {  	[sflag:s23] =	ssyncset.done $0x0  }
0xa4: {  	s25 =	simm.s32 $0x1B8E;
	s24 =	sld [smem:$0x3FFE];
	[sflag:s23] =	ssyncadd.s32 $0xFFFFFFFF  }
0xa5: {  	s26 =	simm.s32 $execute0_lowered;
	[smem:$0x3FD2] =	sst s25  }
0xa6: {  	s4 =	sshll.u32 s26, $0x1;
	_ =	strace $0x80000046;
	[dreg:$0x1] =	wrdreg $0xFFFFFFFF  }
0xa7: {  	s28 =	simm.s32 $_size_execute0_lowered;
	s2 =	sadd.s32 s2, s4;
	[dreg:$0x0] =	wrdreg $0x0  }
0xa8: {  	s4 =	sshll.u32 s28, $0x1;
	[dreg:$0x2] =	wrdreg s2  }
0xa9: {  	[dreg:$0x3] =	wrdreg s4  }
0xaa: {  	[dreg:$0x4] =	wrdreg $0xC0  }
0xab: {  	_ =	task [dreg:s6], $0x5FFFF  }
0xac: {  	[dreg:$0x1] =	wrdreg $0xFFFFFFFF  }
0xad: {  	[dreg:$0x0] =	wrdreg $0x60  }
0xae: {  	[dreg:$0x2] =	wrdreg s24  }
0xaf: {  	[dreg:$0x3] =	wrdreg $0x9  }
0xb0: {  	_ =	task.clear_ibuf [dreg:s6], $0x4FFFF;
	_ =	strace $0x90000046  }
0xb1: {  	s29 =	simm.s32 $0x9;
	_ =	strace $0x80000048  }
0xb2: {  	_ =	swait.ge [sflag:s29], $0x1  }
0xb3: {  	[sflag:s29] =	ssyncadd.s32 $0xFFFFFFFF  }
0xb4: {  	_ =	strace $0x90000048  }
0xb5: {  	_ =	sfence  }
0xb6: {  	s30 =	sld [smem:$0x0];
	_ =	sdelay $0x2  }
0xb7: {  	s31 =	sshll.u32 s1, $0xD;
	s1 =	sshrl.u32 s1, $0x2  }
0xb8: {  	s3 =	sand.u32 $0x4000, s31;
	s1 =	sadd.s32 s1, s30  }
0xb9: {  	s0 =	sor.u32 s3, s0;
	s1 =	sshll.u32 s1, $0x11  }
0xba: {  	s0 =	sor.u32 s1, s0  }
0xbb: {  	s0 =	sadd.s32 $0x8F2B, s0  }
0xbc: {  	[sflag:s0] =	ssyncadd.remote.s32 $0x1  }
0xbd: {  	_ =	sfence.sel $0xFFFF  }
0xbe: {  	[dreg:$0x0] =	wrdreg $0xFFFFFFFF;
	(pc) =	sbr.abs _section_cstart, $3  }
0xbf: {  	[dreg:$0x1] =	wrdreg $0xFFFFFFFF  }
0xc0: {  	_ =	task.clear_ibuf [dreg:s6], $0x2FFFF;
	_ =	strace $0x9FFFFFFF  }
0xc1: {  	(tm) =	ssettm $0x7FFFFFFF  }
tec
execute0_lowered:
.L_overlay_start_1:
0x0: {  	(tag) =	ssettag $0x1  }
0x1: {  	s5 =	rddreg [dreg:$0x0]  }
0x2: {  	s0 =	rddreg [dreg:$0x1]  }
0x3: {  	s2 =	simm.s32 $0x0;
	s3 =	srdreg.scid;
	s1 =	stileid.u32  }
0x4: {  	s10 =	simm.s32 $0x2;
	s11 =	simm.s32 $0x1C6A0;
	s12 =	simm.s32 $0x3  }
0x5: {  	[smem:$0x7FF] =	sst s2;
	s3 =	sand.u32 $0x1, s3;
	s4 =	sshll.u32 s1, $0x1  }
0x6: {  	s13 =	simm.s32 $0x0;
	_ =	strace $0x80000047;
	s6 =	sor.u32 s3, s4  }
0x7: {  	s7 =	ssub.s32 $0x2, s3;
	s3 =	sadd.s32 $0x2400, s5;
	s8 =	sshll.u32 s6, $0x9  }
0x8: {  	s4 =	sadd.s32 $0x9ED600, s5;
	s9 =	sshrl.u32 s7, $0x1;
	s8 =	sadd.s32 s8, s5  }
0x9: {  	s7 =	ssub.s32 s7, s9;
	s5 =	smul.u32 $0x186A0, s6;
	s9 =	simm.s32 $0x1  }
0xa: {  	s6 =	sadd.s32 $0x9FA600, s8;
	s7 =	smax.u32 s7, $0x1;
	s8 =	simm.s32 $0x186A0  }
.LBB2_1:
0xb: {  	s14 =	simm.s32 $0x0  }
.LBB2_2:
0xc: {  	s15 =	smul.u32 $0x30D400, s14;
	_ =	sdelay $0x1  }
0xd: {  	s15 =	sadd.s32 s5, s15  }
0xe: {  	s15 =	sshrl.u32 s15, $0x3  }
0xf: {  	s16 =	simm.s32 $0x0;
	s31 =	sshll.u32 s14, $0xB;
	s15 =	sadd.s32 s3, s15  }
0x10: {  	[tilespmem:s16], [sflag:$0x1] =	stream.linear.gather [hbm4b:s15+s16], $0x186A0, $0x38;
	[tilespmem:$0x1D6A0] =	vst v63  }
0x11: {  	s15 =	sadd.s32 s4, s31  }
0x12: {  	[tilespmem:s8], [sflag:$0x2] =	stream.linear.gather [hbm4b:s15+s16], $0x4000, $0x38;
	[tilespmem:$0x1D6A0] =	vst v63  }
0x13: {  	_ =	swait.ge [sflag:s9], $0x186A0  }
0x14: {  	[sflag:s9] =	ssyncset.done $0x0  }
0x15: {  	[sflag:s9] =	ssyncadd.s32 $0xFFFE7960  }
0x16: {  	_ =	swait.ge [sflag:s10], $0x4000  }
0x17: {  	[sflag:s10] =	ssyncset.done $0x0  }
0x18: {  	s15 =	simm.s32 $0x0;
	[sflag:s10] =	ssyncadd.s32 $0xFFFFC000  }
0x19: {  	v0 =	vld [tilespmem:s15+$0x196A0]  }
0x1a: {  	v2 =	vld [tilespmem:s15+$0x186A0];
	_ =	sdelay $0x1  }
0x1b: {  	v3 =	vld [tilespmem:s15+$0x1A6A0]  }
0x1c: {  	v5 =	vld [tilespmem:s15+$0x1B6A0];
	_ =	sdelay $0x3  }
0x1d: {  	v1 =	vld.idx.msk [tilespmem:v0+s2+$0x0], $0xffff  }
0x1e: {  	v4 =	vld.idx.msk [tilespmem:v2+s2+$0x0], $0xffff;
	_ =	sdelay $0x1  }
0x1f: {  	v2 =	vld.idx.msk [tilespmem:v3+s2+$0x0], $0xffff  }
0x20: {  	s16 =	simm.s32 $0x10;
	v3 =	vld.idx.msk [tilespmem:v5+s2+$0x0], $0xffff  }
0x21: {  	s17 =	simm.s32 $0x80;
	v0 =	vld [tilespmem:s16+$0x196A0]  }
.LBB2_3:
0x22: {  	p0 =	sne.s32 s17, $0x3FC0;
	v5 =	vld [tilespmem:s16+$0x186A0];
	v1 =	vadd.f32 v1, v4;
	_ =	sdelay $0x1  }
0x23: {  	v6 =	vld [tilespmem:s16+$0x1A6A0];
	v1 =	vadd.f32 v2, v1;
	_ =	sdelay $0x1  }
0x24: {  	v7 =	vld [tilespmem:s16+$0x1B6A0];
	v1 =	vadd.f32 v3, v1;
	_ =	sdelay $0x1  }
0x25: {  	[tilespmem:s15+$0x1C6A0] =	vst v1;
	s15 =	smov.u32 s16  }
0x26: {  	v1 =	vld.idx.msk [tilespmem:v0+s2+$0x0], $0xffff  }
0x27: {  	v4 =	vld.idx.msk [tilespmem:v5+s2+$0x0], $0xffff  }
.Ltmp0:
0x28: {  	(pc) =	sbr.rel @p0 .LBB2_3-.Ltmp0, $3  }
0x29: {  	v2 =	vld.idx.msk [tilespmem:v6+s2+$0x0], $0xffff;
	_ =	sdelay $0x1  }
0x2a: {  	s16 =	sshra.s32 s17, $0x2;
	v3 =	vld.idx.msk [tilespmem:v7+s2+$0x0], $0xffff  }
0x2b: {  	s17 =	sadd.s32 $0x40, s17;
	v0 =	vld [tilespmem:s16+$0x196A0]  }
0x2c: {  	_ = 	snop  }
0x2d: {  	v5 =	vld [tilespmem:s16+$0x186A0];
	v1 =	vadd.f32 v1, v4;
	_ =	sdelay $0x1  }
0x2e: {  	v61 =	vld [tilespmem:s16+$0x1A6A0];
	v1 =	vadd.f32 v2, v1;
	_ =	sdelay $0x1  }
0x2f: {  	v62 =	vld [tilespmem:s16+$0x1B6A0];
	v1 =	vadd.f32 v3, v1;
	_ =	sdelay $0x1  }
0x30: {  	[tilespmem:s15+$0x1C6A0] =	vst v1  }
0x31: {  	v0 =	vld.idx.msk [tilespmem:v0+s2+$0x0], $0xffff  }
0x32: {  	v1 =	vld.idx.msk [tilespmem:v5+s2+$0x0], $0xffff;
	_ =	sdelay $0x1  }
0x33: {  	v63 =	vld.idx.msk [tilespmem:v61+s2+$0x0], $0xffff;
	_ =	sdelay $0x1  }
0x34: {  	v2 =	vld.idx.msk [tilespmem:v62+s2+$0x0], $0xffff  }
0x35: {  	v0 =	vadd.f32 v0, v1;
	_ =	sdelay $0x1  }
0x36: {  	v0 =	vadd.f32 v63, v0;
	_ =	sdelay $0x1  }
0x37: {  	s31 =	sshll.u32 s14, $0xE;
	s14 =	sadd.s32 $0x1, s14;
	v0 =	vadd.f32 v2, v0  }
0x38: {  	p0 =	sne.s32 s14, $0x1A  }
.Ltmp1:
0x39: {  	s15 =	sadd.s32 s31, s6;
	[tilespmem:s16+$0x1C6A0] =	vst v0;
	(pc) =	sbr.rel @p0 .LBB2_2-.Ltmp1, $4  }
0x3a: {  	[hbm4b:s15+s2] =	stream.linear.scatter [tilespmem:s11], [sflag:$0x3], $0x1000, $0x38;
	[tilespmem:$0x1D6A0] =	vst v63  }
0x3b: {  	_ =	swait.ge [sflag:s12], $0x1000  }
0x3c: {  	[sflag:s12] =	ssyncset.done $0x0  }
0x3d: {  	[sflag:s12] =	ssyncadd.s32 $0xFFFFF000  }
0x3e: {  	s13 =	sadd.s32 $0x1, s13  }
0x3f: {  	p0 =	sne.s32 s13, s7  }
.Ltmp2:
0x40: {  	_ = 	snop;
	(pc) =	sbr.rel @p0 .LBB2_1-.Ltmp2, $1  }
0x41: {  	_ =	sdelay $0x3  }
0x42: {  	_ =	sfence.sel $0x180000  }
0x43: {  	[bflag:$0x0] =	sbarrier.arrive $0xFFFF  }
0x44: {  	p0 =	sne.s32 s1, $0x0;
	_ =	strace $0x90000047  }
0x45: {  	s0 =	sadd.s32 @!p0 $0x100000, s0;
	[bflag:$0x2] =	sbarrier.arrive $0xFFFF  }
0x46: {  	[sflag:s0] =	ssyncadd.tile.s32 @!p0 $0x1;
	_ =	shalt  }
.Lfunc_end2:
_tile_overlayer_lowered:
.L_overlay_start_2:
0x47: {  	(tag) =	ssettag $0x2  }
0x48: {  	s0 =	rddreg [dreg:$0x0];
	s2 =	stileid.u32  }
0x49: {  	s1 =	rddreg [dreg:$0x1];
	p0 =	sne.s32 s2, $0x0  }
0x4a: {  	s3 =	rddreg [dreg:$0x2];
	[bflag:$0x3] =	sbarrier.arrive $0xFFFF;
	s2 =	simm.s32 @!p0 $0x1C03  }
0x4b: {  	[timem:s3], [sflag:s2] =	dma.local @!p0 [hbm:s0], s1  }
0x4c: {  	s0 =	simm.s32 @!p0 $0x3  }
0x4d: {  	_ =	swait.ge @!p0 [sflag:s0], s1  }
0x4e: {  	s1 =	ssub.s32 @!p0 $0x0, s1;
	[sflag:s0] =	ssyncset.done @!p0 $0x0  }
0x4f: {  	[sflag:s0] =	ssyncadd.s32 @!p0 s1  }
0x50: {  	[bflag:$0x3] =	sbarrier.arrive $0xFFFF  }
0x51: {  	_ =	shalt  }

</sc_bundles>
